<compile_context>
chip_gen: v7x
topology: tpu7x:2x2x1
jax: 0.10.2.dev20260603
libtpu: 0.0.44.dev20260713+nightly
codegen_flags: <defaults>
</compile_context>

<pallas_src>
import functools

import jax
import jax.numpy as jnp
from jax import lax
from jax.experimental import pallas as pl
from jax.experimental.pallas import tpu as pltpu
from jax.experimental.pallas import tpu_sc as plsc

N = 8192
D = 64
K = 1024
BLK = 4096
GRID = N // BLK

_LOSS_W = 1.25
_ENTROPY_W = 0.1


def _tc_body(x_ref, cb_ref, tok_ref, loss_ref, cbt_s, c2_s, colmin_s, zcol_s,
             iota_s, rowsum_s):
    i = pl.program_id(0)

    @pl.when(i == 0)
    def _init():
        cbt = cb_ref[...].T
        cbt_s[...] = cbt.astype(jnp.bfloat16)
        c2_s[...] = jnp.sum(cbt * cbt, axis=0, keepdims=True)
        colmin_s[...] = jnp.full((1, K), jnp.inf, jnp.float32)
        zcol_s[...] = jnp.full((1, K), float(K), jnp.float32)
        iota_s[...] = lax.broadcasted_iota(jnp.int32, (1, K), 1).astype(jnp.float32)
        rowsum_s[0, 0] = 0.0

    x = x_ref[...].reshape(BLK, D)
    v2 = jnp.sum(x * x, axis=1, keepdims=True)
    cross2 = jnp.dot((x + x).astype(jnp.bfloat16), cbt_s[...],
                     preferred_element_type=jnp.float32)
    dist = (v2 - cross2) + c2_s[...]

    rowmin = jnp.min(dist, axis=1, keepdims=True)
    z = jnp.where(dist == rowmin, iota_s[...], float(K))
    tok = jnp.min(z, axis=1, keepdims=True).astype(jnp.int32)
    tok_ref[...] = jnp.reshape(tok, (BLK // 128, 128))

    colmin_s[...] = jnp.minimum(colmin_s[...], jnp.min(dist, axis=0, keepdims=True))
    zcol_s[...] = jnp.minimum(zcol_s[...], jnp.min(z, axis=0, keepdims=True))
    rowsum_s[0, 0] = rowsum_s[0, 0] + jnp.sum(rowmin)

    @pl.when(i == GRID - 1)
    def _fin():
        ent = jnp.sum(jnp.where(zcol_s[...] < float(K), 0.0, colmin_s[...]))
        mean_sq = rowsum_s[0, 0] / (N * D)
        total = _LOSS_W * mean_sq + _ENTROPY_W * ent / K
        loss_ref[...] = jnp.full((1, 1), total, jnp.float32)


def _tc_call(inputs4d, cb, interpret=False):
    return pl.pallas_call(
        _tc_body,
        grid=(GRID,),
        in_specs=[
            pl.BlockSpec((4, 32, 32, D), lambda i: (i, 0, 0, 0)),
            pl.BlockSpec((K, D), lambda i: (0, 0)),
        ],
        out_specs=[
            pl.BlockSpec((BLK // 128, 128), lambda i: (i, 0)),
            pl.BlockSpec((1, 1), lambda i: (0, 0)),
        ],
        out_shape=[
            jax.ShapeDtypeStruct((N // 128, 128), jnp.int32),
            jax.ShapeDtypeStruct((1, 1), jnp.float32),
        ],
        scratch_shapes=[
            pltpu.VMEM((D, K), jnp.bfloat16),
            pltpu.VMEM((1, K), jnp.float32),
            pltpu.VMEM((1, K), jnp.float32),
            pltpu.VMEM((1, K), jnp.float32),
            pltpu.VMEM((1, K), jnp.float32),
            pltpu.SMEM((1, 1), jnp.float32),
        ],
        interpret=interpret,
    )(inputs4d, cb)


_SC_NC = 2
_SC_NS = 16
_NW = _SC_NC * _SC_NS
_ROWS_W = N // _NW
_IDX_CH = 128
_CH_W = _ROWS_W // _IDX_CH


def _sc_gather(tok2d, codebook):
    mesh = plsc.VectorSubcoreMesh(core_axis_name="c", subcore_axis_name="s")

    @functools.partial(
        pl.kernel,
        mesh=mesh,
        compiler_params=pltpu.CompilerParams(use_tc_tiling_on_sc=False),
        out_type=jax.ShapeDtypeStruct((N, D), jnp.float32),
        scratch_types=[
            pltpu.VMEM((_CH_W, _IDX_CH), jnp.int32),
            pltpu.VMEM((_ROWS_W, D), jnp.float32),
            pltpu.SemaphoreType.DMA,
        ],
    )
    def k(tok_hbm, cb_hbm, out_hbm, idx_v, rows_v, sem):
        wid = lax.axis_index("s") * _SC_NC + lax.axis_index("c")
        pltpu.sync_copy(tok_hbm.at[pl.ds(wid * _CH_W, _CH_W)], idx_v)
        cp0 = pltpu.async_copy(cb_hbm.at[idx_v.at[0]],
                               rows_v.at[pl.ds(0, _IDX_CH)], sem)
        cp1 = pltpu.async_copy(cb_hbm.at[idx_v.at[1]],
                               rows_v.at[pl.ds(_IDX_CH, _IDX_CH)], sem)
        cp0.wait()
        cp1.wait()
        pltpu.sync_copy(rows_v, out_hbm.at[pl.ds(wid * _ROWS_W, _ROWS_W)])

    return k(tok2d, codebook)


def kernel(inputs, codebook):
    tok, loss = _tc_call(inputs, codebook)
    emb = _sc_gather(tok, codebook)
    return emb.reshape(inputs.shape), loss[0, 0]

# --- scband reference (transcript-rebuilt; emitter-appended) ---
"""Pipeline reference for scband-vqvaemodel-30288109371653 (READ-ONLY COPY).

The authoritative reference and input builder live on the scoring server;
editing this copy changes nothing except your own understanding.
"""

import jax, jax.numpy as jnp
import numpy as np

CODEBOOK_SIZE = 1024
EMBED_DIM = 64
EMBEDDING_LOSS_W = 1.0
COMMITMENT_LOSS_W = 0.25
ENTROPY_LOSS_W = 0.1


def setup_inputs(seed: int = 0) -> dict:
    key = jax.random.key(seed)
    k1, k2 = jax.random.split(key)
    # latent feature map produced by the encoder: img 512 downscaled 16x -> 32x32
    inputs = jax.random.normal(k1, (8, 32, 32, EMBED_DIM), dtype=jnp.float32)
    # codebook weight, RandomUniform initializer like keras default (-0.05, 0.05)
    codebook = jax.random.uniform(k2, (CODEBOOK_SIZE, EMBED_DIM), dtype=jnp.float32, minval=-0.05, maxval=0.05)
    return {"inputs": inputs, "codebook": codebook}


def _get_distances(values, codebook):
    # L2 distances of [B,H,W,D] values to each of the K codebook vectors -> [B,H,W,K]
    # expanded form of sum((v - c)^2) to avoid materializing [B,H,W,K,D]
    v2 = jnp.sum(jnp.square(values), axis=-1, keepdims=True)
    c2 = jnp.sum(jnp.square(codebook), axis=-1)
    cross = jnp.einsum('bhwd,kd->bhwk', values, codebook)
    return v2 - 2.0 * cross + c2


def reference(inputs, codebook):
    distances = _get_distances(inputs, codebook)
    tokens = jnp.argmin(distances, axis=-1).astype(jnp.int32)
    embeddings = jnp.take(codebook, tokens, axis=0)

    embedding_loss = EMBEDDING_LOSS_W * jnp.mean(jnp.square(embeddings - jax.lax.stop_gradient(inputs)))
    commitment_loss = COMMITMENT_LOSS_W * jnp.mean(jnp.square(jax.lax.stop_gradient(embeddings) - inputs))

    flat_distances = distances.reshape(-1, CODEBOOK_SIZE)
    closest_classes = jnp.argmin(flat_distances, axis=1).astype(jnp.int32)
    active_classes = jnp.zeros((CODEBOOK_SIZE,), jnp.int32).at[closest_classes].add(1)
    entropy_loss = ENTROPY_LOSS_W * jnp.mean(
        jnp.where(active_classes == 0, jnp.min(flat_distances, axis=0), 0.0)
    )

    # training=True straight-through estimator path
    out = inputs + jax.lax.stop_gradient(embeddings - inputs)
    total_loss = embedding_loss + commitment_loss + entropy_loss
    return out, total_loss

if __name__ == "__main__":
    import jax
    _d = setup_inputs()
    print(jax.jit(kernel)(*tuple(_d.values())))

</pallas_src>

<mosaic_0001>
#map = affine_map<(d0, d1) -> (0, 0)>
module attributes {stable_mosaic.version = 14 : i64} {
  func.func @k(%arg0: i32, %arg1: i32, %arg2: memref<64x128xi32, #tpu.memory_space<hbm>>, %arg3: memref<1024x64xf32, #tpu.memory_space<hbm>>, %arg4: memref<8192x64xf32, #tpu.memory_space<hbm>>, %arg5: memref<2x128xi32, #tpu.memory_space<vmem>>, %arg6: memref<256x64xf32, #tpu.memory_space<vmem>>, %arg7: memref<!tpu.dma_semaphore, #tpu.memory_space<semaphore_mem>>) attributes {dimension_semantics = [#tpu.dimension_semantics<core_parallel>, #tpu.dimension_semantics<subcore_parallel>], iteration_bounds = array<i64: 2, 16>, scalar_prefetch = 0 : i64, scratch_operands = 3 : i64, tpu.core_type = #tpu.core_type<sc_vector_subcore>, window_params = [{transform_indices = #map}, {transform_indices = #map}, {transform_indices = #map}]} {
    %mul3A = arith.constant 2 : i32
    %mul3A_0 = arith.muli %arg1, %mul3A : i32
    %add3A = arith.addi %mul3A_0, %arg0 : i32
    %mul3A_1 = arith.constant 2 : i32
    %mul3A_2 = arith.muli %add3A, %mul3A_1 : i32
    "tpu.region"() ({
      %run_scoped3A = tpu.sem_alloc : memref<!tpu.dma_semaphore, #tpu.memory_space<semaphore_mem>>
      %dma_start3A_43 = arith.constant 0 : i32
      %dma_start3A_44 = tpu.memref_slice %arg2[%mul3A_2, %dma_start3A_43] : memref<64x128xi32, #tpu.memory_space<hbm>> -> memref<2x128xi32, #tpu.memory_space<hbm>>
      %dma_start3A_45 = arith.constant 0 : i32
      %dma_start3A_46 = tpu.memref_slice %arg2[%mul3A_2, %dma_start3A_45] : memref<64x128xi32, #tpu.memory_space<hbm>> -> memref<2x128xi32, #tpu.memory_space<hbm>>
      tpu.enqueue_dma source(%dma_start3A_46 : memref<2x128xi32, #tpu.memory_space<hbm>>) target(%arg5 : memref<2x128xi32, #tpu.memory_space<vmem>>) target_semaphore(%run_scoped3A : memref<!tpu.dma_semaphore, #tpu.memory_space<semaphore_mem>>)
      %dma_wait3A_47 = arith.constant 0 : i32
      %dma_wait3A_48 = tpu.memref_slice %arg2[%mul3A_2, %dma_wait3A_47] : memref<64x128xi32, #tpu.memory_space<hbm>> -> memref<2x128xi32, #tpu.memory_space<hbm>>
      %dma_wait3A_49 = arith.constant 0 : i32
      %dma_wait3A_50 = tpu.memref_slice %arg2[%mul3A_2, %dma_wait3A_49] : memref<64x128xi32, #tpu.memory_space<hbm>> -> memref<2x128xi32, #tpu.memory_space<hbm>>
      tpu.wait_dma2 semaphore(%run_scoped3A : memref<!tpu.dma_semaphore, #tpu.memory_space<semaphore_mem>>) src(%dma_wait3A_50 : memref<2x128xi32, #tpu.memory_space<hbm>>) dst(%arg5 : memref<2x128xi32, #tpu.memory_space<vmem>>)
      tpu.yield
    }) : () -> ()
    %dma_start3A = arith.constant 0 : i32
    %dma_start3A_3 = arith.constant 0 : i32
    %dma_start3A_4 = arith.constant 0 : i32
    %dma_start3A_5 = tpu.memref_slice %arg6[%dma_start3A_3, %dma_start3A_4] : memref<256x64xf32, #tpu.memory_space<vmem>> -> memref<128x64xf32, #tpu.memory_space<vmem>>
    %dma_start3A_6 = arith.constant 0 : i32
    %dma_start3A_7 = tpu.memref_slice %arg5[%dma_start3A, %dma_start3A_6] : memref<2x128xi32, #tpu.memory_space<vmem>> -> memref<1x128xi32, #tpu.memory_space<vmem>>
    %dma_start3A_8 = tpu.memref_squeeze %dma_start3A_7 : memref<1x128xi32, #tpu.memory_space<vmem>> -> memref<128xi32, #tpu.memory_space<vmem>>
    %dma_start3A_9 = arith.constant 0 : i32
    %dma_start3A_10 = arith.constant 0 : i32
    %dma_start3A_11 = tpu.memref_slice %arg3[%dma_start3A_9, %dma_start3A_10] : memref<1024x64xf32, #tpu.memory_space<hbm>> -> memref<1024x64xf32, #tpu.memory_space<hbm>>
    tpu.enqueue_indirect_dma source(%dma_start3A_11 : memref<1024x64xf32, #tpu.memory_space<hbm>>) target(%dma_start3A_5 : memref<128x64xf32, #tpu.memory_space<vmem>>) offsets(%dma_start3A_8 : memref<128xi32, #tpu.memory_space<vmem>>) semaphore(%arg7 : memref<!tpu.dma_semaphore, #tpu.memory_space<semaphore_mem>>)
    %dma_start3A_12 = arith.constant 1 : i32
    %dma_start3A_13 = arith.constant 128 : i32
    %dma_start3A_14 = arith.constant 0 : i32
    %dma_start3A_15 = tpu.memref_slice %arg6[%dma_start3A_13, %dma_start3A_14] : memref<256x64xf32, #tpu.memory_space<vmem>> -> memref<128x64xf32, #tpu.memory_space<vmem>>
    %dma_start3A_16 = arith.constant 0 : i32
    %dma_start3A_17 = tpu.memref_slice %arg5[%dma_start3A_12, %dma_start3A_16] : memref<2x128xi32, #tpu.memory_space<vmem>> -> memref<1x128xi32, #tpu.memory_space<vmem>>
    %dma_start3A_18 = tpu.memref_squeeze %dma_start3A_17 : memref<1x128xi32, #tpu.memory_space<vmem>> -> memref<128xi32, #tpu.memory_space<vmem>>
    %dma_start3A_19 = arith.constant 0 : i32
    %dma_start3A_20 = arith.constant 0 : i32
    %dma_start3A_21 = tpu.memref_slice %arg3[%dma_start3A_19, %dma_start3A_20] : memref<1024x64xf32, #tpu.memory_space<hbm>> -> memref<1024x64xf32, #tpu.memory_space<hbm>>
    tpu.enqueue_indirect_dma source(%dma_start3A_21 : memref<1024x64xf32, #tpu.memory_space<hbm>>) target(%dma_start3A_15 : memref<128x64xf32, #tpu.memory_space<vmem>>) offsets(%dma_start3A_18 : memref<128xi32, #tpu.memory_space<vmem>>) semaphore(%arg7 : memref<!tpu.dma_semaphore, #tpu.memory_space<semaphore_mem>>)
    %dma_wait3A = arith.constant 0 : i32
    %dma_wait3A_22 = arith.constant 0 : i32
    %dma_wait3A_23 = arith.constant 0 : i32
    %dma_wait3A_24 = tpu.memref_slice %arg6[%dma_wait3A_22, %dma_wait3A_23] : memref<256x64xf32, #tpu.memory_space<vmem>> -> memref<128x64xf32, #tpu.memory_space<vmem>>
    %dma_wait3A_25 = arith.constant 0 : i32
    %dma_wait3A_26 = tpu.memref_slice %arg5[%dma_wait3A, %dma_wait3A_25] : memref<2x128xi32, #tpu.memory_space<vmem>> -> memref<1x128xi32, #tpu.memory_space<vmem>>
    %dma_wait3A_27 = tpu.memref_squeeze %dma_wait3A_26 : memref<1x128xi32, #tpu.memory_space<vmem>> -> memref<128xi32, #tpu.memory_space<vmem>>
    %dma_wait3A_28 = arith.constant 0 : i32
    %dma_wait3A_29 = arith.constant 0 : i32
    %dma_wait3A_30 = tpu.memref_slice %arg3[%dma_wait3A_28, %dma_wait3A_29] : memref<1024x64xf32, #tpu.memory_space<hbm>> -> memref<1024x64xf32, #tpu.memory_space<hbm>>
    tpu.wait_indirect_dma semaphore(%arg7 : memref<!tpu.dma_semaphore, #tpu.memory_space<semaphore_mem>>) src(%dma_wait3A_30 : memref<1024x64xf32, #tpu.memory_space<hbm>>) dst(%dma_wait3A_24 : memref<128x64xf32, #tpu.memory_space<vmem>>)
    %dma_wait3A_31 = arith.constant 1 : i32
    %dma_wait3A_32 = arith.constant 128 : i32
    %dma_wait3A_33 = arith.constant 0 : i32
    %dma_wait3A_34 = tpu.memref_slice %arg6[%dma_wait3A_32, %dma_wait3A_33] : memref<256x64xf32, #tpu.memory_space<vmem>> -> memref<128x64xf32, #tpu.memory_space<vmem>>
    %dma_wait3A_35 = arith.constant 0 : i32
    %dma_wait3A_36 = tpu.memref_slice %arg5[%dma_wait3A_31, %dma_wait3A_35] : memref<2x128xi32, #tpu.memory_space<vmem>> -> memref<1x128xi32, #tpu.memory_space<vmem>>
    %dma_wait3A_37 = tpu.memref_squeeze %dma_wait3A_36 : memref<1x128xi32, #tpu.memory_space<vmem>> -> memref<128xi32, #tpu.memory_space<vmem>>
    %dma_wait3A_38 = arith.constant 0 : i32
    %dma_wait3A_39 = arith.constant 0 : i32
    %dma_wait3A_40 = tpu.memref_slice %arg3[%dma_wait3A_38, %dma_wait3A_39] : memref<1024x64xf32, #tpu.memory_space<hbm>> -> memref<1024x64xf32, #tpu.memory_space<hbm>>
    tpu.wait_indirect_dma semaphore(%arg7 : memref<!tpu.dma_semaphore, #tpu.memory_space<semaphore_mem>>) src(%dma_wait3A_40 : memref<1024x64xf32, #tpu.memory_space<hbm>>) dst(%dma_wait3A_34 : memref<128x64xf32, #tpu.memory_space<vmem>>)
    %mul3A_41 = arith.constant 256 : i32
    %mul3A_42 = arith.muli %add3A, %mul3A_41 : i32
    "tpu.region"() ({
      %run_scoped3A = tpu.sem_alloc : memref<!tpu.dma_semaphore, #tpu.memory_space<semaphore_mem>>
      %dma_start3A_43 = arith.constant 0 : i32
      %dma_start3A_44 = tpu.memref_slice %arg4[%mul3A_42, %dma_start3A_43] : memref<8192x64xf32, #tpu.memory_space<hbm>> -> memref<256x64xf32, #tpu.memory_space<hbm>>
      %dma_start3A_45 = arith.constant 0 : i32
      %dma_start3A_46 = tpu.memref_slice %arg4[%mul3A_42, %dma_start3A_45] : memref<8192x64xf32, #tpu.memory_space<hbm>> -> memref<256x64xf32, #tpu.memory_space<hbm>>
      tpu.enqueue_dma source(%arg6 : memref<256x64xf32, #tpu.memory_space<vmem>>) target(%dma_start3A_46 : memref<256x64xf32, #tpu.memory_space<hbm>>) target_semaphore(%run_scoped3A : memref<!tpu.dma_semaphore, #tpu.memory_space<semaphore_mem>>)
      %dma_wait3A_47 = arith.constant 0 : i32
      %dma_wait3A_48 = tpu.memref_slice %arg4[%mul3A_42, %dma_wait3A_47] : memref<8192x64xf32, #tpu.memory_space<hbm>> -> memref<256x64xf32, #tpu.memory_space<hbm>>
      %dma_wait3A_49 = arith.constant 0 : i32
      %dma_wait3A_50 = tpu.memref_slice %arg4[%mul3A_42, %dma_wait3A_49] : memref<8192x64xf32, #tpu.memory_space<hbm>> -> memref<256x64xf32, #tpu.memory_space<hbm>>
      tpu.wait_dma2 semaphore(%run_scoped3A : memref<!tpu.dma_semaphore, #tpu.memory_space<semaphore_mem>>) src(%arg6 : memref<256x64xf32, #tpu.memory_space<vmem>>) dst(%dma_wait3A_50 : memref<256x64xf32, #tpu.memory_space<hbm>>)
      tpu.yield
    }) : () -> ()
    return
  }
}

module attributes {stable_mosaic.version = 14 : i64} {
  func.func @_tc_body(%arg0: i32, %arg1: memref<4x32x32x64xf32, #tpu.memory_space<vmem>>, %arg2: memref<1024x64xf32, #tpu.memory_space<vmem>>, %arg3: memref<32x128xi32, #tpu.memory_space<vmem>>, %arg4: memref<1x1xf32, #tpu.memory_space<vmem>>, %arg5: memref<64x1024xbf16, #tpu.memory_space<vmem>>, %arg6: memref<1x1024xf32, #tpu.memory_space<vmem>>, %arg7: memref<1x1024xf32, #tpu.memory_space<vmem>>, %arg8: memref<1x1024xf32, #tpu.memory_space<vmem>>, %arg9: memref<1x1024xf32, #tpu.memory_space<vmem>>, %arg10: memref<1x1xf32, #tpu.memory_space<smem>>) attributes {dimension_semantics = [#tpu.dimension_semantics<arbitrary>], iteration_bounds = array<i64: 2>, scalar_prefetch = 0 : i64, scratch_operands = 6 : i64, tpu.core_type = #tpu.core_type<tc>, window_params = [{transform_indices = @transform_0, window_bounds = array<i64: 4, 32, 32, 64>}, {pipeline_mode = #tpu.pipeline_mode<synchronous>, transform_indices = @transform_1, window_bounds = array<i64: 1024, 64>}, {transform_indices = @transform_2, window_bounds = array<i64: 32, 128>}, {pipeline_mode = #tpu.pipeline_mode<synchronous>, transform_indices = @transform_3, window_bounds = array<i64: 1, 1>}]} {
    %eq3A = arith.constant 0 : i32
    %eq3A_0 = arith.cmpi eq, %arg0, %eq3A : i32
    %convert_element_type3A = arith.extui %eq3A_0 : i1 to i32
    %cond3A = arith.constant 0 : i32
    %cond3A_1 = arith.cmpi ne, %convert_element_type3A, %cond3A : i32
    scf.if %cond3A_1 {
      %get3A_71 = arith.constant 0 : index
      %get3A_72 = arith.constant 0 : index
      %get3A_73 = vector.load %arg2[%get3A_71, %get3A_72] : memref<1024x64xf32, #tpu.memory_space<vmem>>, vector<1024x64xf32>
      %transpose3A = tpu.transpose %get3A_73, [1, 0] : vector<1024x64xf32> -> vector<64x1024xf32>
      %convert_element_type3A_74 = arith.truncf %transpose3A : vector<64x1024xf32> to vector<64x1024xbf16>
      %swap3A_75 = arith.constant 0 : index
      %swap3A_76 = arith.constant 0 : index
      %swap3A_77 = vector.load %arg5[%swap3A_75, %swap3A_76] : memref<64x1024xbf16, #tpu.memory_space<vmem>>, vector<64x1024xbf16>
      tpu.vector_store %arg5[%swap3A_75, %swap3A_76], %convert_element_type3A_74 {strides = array<i32>} : memref<64x1024xbf16, #tpu.memory_space<vmem>>, vector<64x1024xbf16>,
      %mul3A_78 = arith.mulf %transpose3A, %transpose3A : vector<64x1024xf32>
      %reduce_sum3A_79 = arith.constant dense<0.000000e+00> : vector<1024xf32>
      %reduce_sum3A_80 = vector.multi_reduction <add>, %mul3A_78, %reduce_sum3A_79 [0] : vector<64x1024xf32> to vector<1024xf32>
      %broadcast_in_dim3A_81 = vector.shape_cast %reduce_sum3A_80 : vector<1024xf32> to vector<1x1024xf32>
      %swap3A_82 = arith.constant 0 : index
      %swap3A_83 = arith.constant 0 : index
      %swap3A_84 = vector.load %arg6[%swap3A_82, %swap3A_83] : memref<1x1024xf32, #tpu.memory_space<vmem>>, vector<1x1024xf32>
      tpu.vector_store %arg6[%swap3A_82, %swap3A_83], %broadcast_in_dim3A_81 {strides = array<i32>} : memref<1x1024xf32, #tpu.memory_space<vmem>>, vector<1x1024xf32>,
      %broadcast_in_dim3A_85 = arith.constant 0x7F800000 : f32
      %broadcast_in_dim3A_86 = vector.broadcast %broadcast_in_dim3A_85 : f32 to vector<1x1024xf32>
      %swap3A_87 = arith.constant 0 : index
      %swap3A_88 = arith.constant 0 : index
      %swap3A_89 = vector.load %arg7[%swap3A_87, %swap3A_88] : memref<1x1024xf32, #tpu.memory_space<vmem>>, vector<1x1024xf32>
      tpu.vector_store %arg7[%swap3A_87, %swap3A_88], %broadcast_in_dim3A_86 {strides = array<i32>} : memref<1x1024xf32, #tpu.memory_space<vmem>>, vector<1x1024xf32>,
      %broadcast_in_dim3A_90 = arith.constant 1.024000e+03 : f32
      %broadcast_in_dim3A_91 = vector.broadcast %broadcast_in_dim3A_90 : f32 to vector<1x1024xf32>
      %swap3A_92 = arith.constant 0 : index
      %swap3A_93 = arith.constant 0 : index
      %swap3A_94 = vector.load %arg8[%swap3A_92, %swap3A_93] : memref<1x1024xf32, #tpu.memory_space<vmem>>, vector<1x1024xf32>
      tpu.vector_store %arg8[%swap3A_92, %swap3A_93], %broadcast_in_dim3A_91 {strides = array<i32>} : memref<1x1024xf32, #tpu.memory_space<vmem>>, vector<1x1024xf32>,
      %iota3A = tpu.iota {dimensions = array<i32: 1>} : vector<1x1024xi32>
      %convert_element_type3A_95 = arith.sitofp %iota3A : vector<1x1024xi32> to vector<1x1024xf32>
      %swap3A_96 = arith.constant 0 : index
      %swap3A_97 = arith.constant 0 : index
      %swap3A_98 = vector.load %arg9[%swap3A_96, %swap3A_97] : memref<1x1024xf32, #tpu.memory_space<vmem>>, vector<1x1024xf32>
      tpu.vector_store %arg9[%swap3A_96, %swap3A_97], %convert_element_type3A_95 {strides = array<i32>} : memref<1x1024xf32, #tpu.memory_space<vmem>>, vector<1x1024xf32>,
      %swap3A_99 = arith.constant 0.000000e+00 : f32
      %swap3A_100 = arith.constant 0 : index
      %swap3A_101 = arith.constant 0 : index
      %swap3A_102 = memref.load %arg10[%swap3A_100, %swap3A_101] : memref<1x1xf32, #tpu.memory_space<smem>>
      memref.store %swap3A_99, %arg10[%swap3A_100, %swap3A_101] : memref<1x1xf32, #tpu.memory_space<smem>>
    } else {
    }
    %get3A = arith.constant 0 : index
    %get3A_2 = arith.constant 0 : index
    %get3A_3 = arith.constant 0 : index
    %get3A_4 = arith.constant 0 : index
    %get3A_5 = vector.load %arg1[%get3A, %get3A_2, %get3A_3, %get3A_4] : memref<4x32x32x64xf32, #tpu.memory_space<vmem>>, vector<4x32x32x64xf32>
    %reshape3A = vector.shape_cast %get3A_5 : vector<4x32x32x64xf32> to vector<4096x64xf32>
    %mul3A = arith.mulf %reshape3A, %reshape3A : vector<4096x64xf32>
    %reduce_sum3A = arith.constant dense<0.000000e+00> : vector<4096xf32>
    %reduce_sum3A_6 = vector.multi_reduction <add>, %mul3A, %reduce_sum3A [1] : vector<4096x64xf32> to vector<4096xf32>
    %broadcast_in_dim3A = vector.shape_cast %reduce_sum3A_6 : vector<4096xf32> to vector<4096x1xf32>
    %add3A = arith.addf %reshape3A, %reshape3A : vector<4096x64xf32>
    %convert_element_type3A_7 = arith.truncf %add3A : vector<4096x64xf32> to vector<4096x64xbf16>
    %get3A_8 = arith.constant 0 : index
    %get3A_9 = arith.constant 0 : index
    %get3A_10 = vector.load %arg5[%get3A_8, %get3A_9] : memref<64x1024xbf16, #tpu.memory_space<vmem>>, vector<64x1024xbf16>
    %dot_general3A = arith.constant dense<0.000000e+00> : vector<4096x1024xf32>
    %dot_general3A_11 = tpu.matmul %convert_element_type3A_7, %get3A_10, %dot_general3A {dimension_numbers = #tpu.dot_dimension_numbers<[1], [0], [0], [1], [0, 0, 1, 1], [], []>, transpose_lhs_hint = false} : vector<4096x64xbf16>, vector<64x1024xbf16>, vector<4096x1024xf32> -> vector<4096x1024xf32>
    %sub3A = vector.broadcast %broadcast_in_dim3A : vector<4096x1xf32> to vector<4096x1024xf32>
    %sub3A_12 = arith.subf %sub3A, %dot_general3A_11 : vector<4096x1024xf32>
    %get3A_13 = arith.constant 0 : index
    %get3A_14 = arith.constant 0 : index
    %get3A_15 = vector.load %arg6[%get3A_13, %get3A_14] : memref<1x1024xf32, #tpu.memory_space<vmem>>, vector<1x1024xf32>
    %add3A_16 = vector.broadcast %get3A_15 : vector<1x1024xf32> to vector<4096x1024xf32>
    %add3A_17 = arith.addf %sub3A_12, %add3A_16 : vector<4096x1024xf32>
    %reduce_min3A = arith.constant dense<0x7F800000> : vector<4096xf32>
    %reduce_min3A_18 = vector.multi_reduction <minimumf>, %add3A_17, %reduce_min3A [1] : vector<4096x1024xf32> to vector<4096xf32>
    %broadcast_in_dim3A_19 = vector.shape_cast %reduce_min3A_18 : vector<4096xf32> to vector<4096x1xf32>
    %eq3A_20 = vector.broadcast %broadcast_in_dim3A_19 : vector<4096x1xf32> to vector<4096x1024xf32>
    %eq3A_21 = arith.cmpf oeq, %add3A_17, %eq3A_20 : vector<4096x1024xf32>
    %get3A_22 = arith.constant 0 : index
    %get3A_23 = arith.constant 0 : index
    %get3A_24 = vector.load %arg9[%get3A_22, %get3A_23] : memref<1x1024xf32, #tpu.memory_space<vmem>>, vector<1x1024xf32>
    %jit3A = arith.constant 1.024000e+03 : f32
    %broadcast_in_dim3A_25 = vector.shape_cast %get3A_24 : vector<1x1024xf32> to vector<1x1024xf32>
    %broadcast_in_dim3A_26 = vector.broadcast %broadcast_in_dim3A_25 : vector<1x1024xf32> to vector<4096x1024xf32>
    %broadcast_in_dim3A_27 = vector.broadcast %jit3A : f32 to vector<4096x1024xf32>
    %select_n3A = arith.select %eq3A_21, %broadcast_in_dim3A_26, %broadcast_in_dim3A_27 : vector<4096x1024xi1>, vector<4096x1024xf32>
    %reduce_min3A_28 = arith.constant dense<0x7F800000> : vector<4096xf32>
    %reduce_min3A_29 = vector.multi_reduction <minimumf>, %select_n3A, %reduce_min3A_28 [1] : vector<4096x1024xf32> to vector<4096xf32>
    %broadcast_in_dim3A_30 = vector.shape_cast %reduce_min3A_29 : vector<4096xf32> to vector<4096x1xf32>
    %convert_element_type3A_31 = arith.fptosi %broadcast_in_dim3A_30 : vector<4096x1xf32> to vector<4096x1xi32>
    %reshape3A_32 = vector.shape_cast %convert_element_type3A_31 : vector<4096x1xi32> to vector<32x128xi32>
    %swap3A = arith.constant 0 : index
    %swap3A_33 = arith.constant 0 : index
    %swap3A_34 = vector.load %arg3[%swap3A, %swap3A_33] : memref<32x128xi32, #tpu.memory_space<vmem>>, vector<32x128xi32>
    tpu.vector_store %arg3[%swap3A, %swap3A_33], %reshape3A_32 {strides = array<i32>} : memref<32x128xi32, #tpu.memory_space<vmem>>, vector<32x128xi32>,
    %get3A_35 = arith.constant 0 : index
    %get3A_36 = arith.constant 0 : index
    %get3A_37 = vector.load %arg7[%get3A_35, %get3A_36] : memref<1x1024xf32, #tpu.memory_space<vmem>>, vector<1x1024xf32>
    %reduce_min3A_38 = arith.constant dense<0x7F800000> : vector<1024xf32>
    %reduce_min3A_39 = vector.multi_reduction <minimumf>, %add3A_17, %reduce_min3A_38 [0] : vector<4096x1024xf32> to vector<1024xf32>
    %broadcast_in_dim3A_40 = vector.shape_cast %reduce_min3A_39 : vector<1024xf32> to vector<1x1024xf32>
    %min3A = arith.minimumf %get3A_37, %broadcast_in_dim3A_40 : vector<1x1024xf32>
    %swap3A_41 = arith.constant 0 : index
    %swap3A_42 = arith.constant 0 : index
    %swap3A_43 = vector.load %arg7[%swap3A_41, %swap3A_42] : memref<1x1024xf32, #tpu.memory_space<vmem>>, vector<1x1024xf32>
    tpu.vector_store %arg7[%swap3A_41, %swap3A_42], %min3A {strides = array<i32>} : memref<1x1024xf32, #tpu.memory_space<vmem>>, vector<1x1024xf32>,
    %get3A_44 = arith.constant 0 : index
    %get3A_45 = arith.constant 0 : index
    %get3A_46 = vector.load %arg8[%get3A_44, %get3A_45] : memref<1x1024xf32, #tpu.memory_space<vmem>>, vector<1x1024xf32>
    %reduce_min3A_47 = arith.constant dense<0x7F800000> : vector<1024xf32>
    %reduce_min3A_48 = vector.multi_reduction <minimumf>, %select_n3A, %reduce_min3A_47 [0] : vector<4096x1024xf32> to vector<1024xf32>
    %broadcast_in_dim3A_49 = vector.shape_cast %reduce_min3A_48 : vector<1024xf32> to vector<1x1024xf32>
    %min3A_50 = arith.minimumf %get3A_46, %broadcast_in_dim3A_49 : vector<1x1024xf32>
    %swap3A_51 = arith.constant 0 : index
    %swap3A_52 = arith.constant 0 : index
    %swap3A_53 = vector.load %arg8[%swap3A_51, %swap3A_52] : memref<1x1024xf32, #tpu.memory_space<vmem>>, vector<1x1024xf32>
    tpu.vector_store %arg8[%swap3A_51, %swap3A_52], %min3A_50 {strides = array<i32>} : memref<1x1024xf32, #tpu.memory_space<vmem>>, vector<1x1024xf32>,
    %get3A_54 = arith.constant 0 : index
    %get3A_55 = arith.constant 0 : index
    %get3A_56 = memref.load %arg10[%get3A_54, %get3A_55] : memref<1x1xf32, #tpu.memory_space<smem>>
    %reduce_sum3A_57 = vector.shape_cast %broadcast_in_dim3A_19 : vector<4096x1xf32> to vector<1x4096x1xf32>
    %reduce_sum3A_58 = arith.constant dense<0.000000e+00> : vector<1xf32>
    %reduce_sum3A_59 = vector.multi_reduction <add>, %reduce_sum3A_57, %reduce_sum3A_58 [1, 2] : vector<1x4096x1xf32> to vector<1xf32>
    %reduce_sum3A_60 = vector.shape_cast %reduce_sum3A_59 : vector<1xf32> to vector<1x1x1xf32>
    %reduce_sum3A_61 = vector.extract %reduce_sum3A_60[0, 0, 0] : f32 from vector<1x1x1xf32>
    %add3A_62 = arith.addf %get3A_56, %reduce_sum3A_61 : f32
    %swap3A_63 = arith.constant 0 : index
    %swap3A_64 = arith.constant 0 : index
    %swap3A_65 = memref.load %arg10[%swap3A_63, %swap3A_64] : memref<1x1xf32, #tpu.memory_space<smem>>
    memref.store %add3A_62, %arg10[%swap3A_63, %swap3A_64] : memref<1x1xf32, #tpu.memory_space<smem>>
    %eq3A_66 = arith.constant 1 : i32
    %eq3A_67 = arith.cmpi eq, %arg0, %eq3A_66 : i32
    %convert_element_type3A_68 = arith.extui %eq3A_67 : i1 to i32
    %cond3A_69 = arith.constant 0 : i32
    %cond3A_70 = arith.cmpi ne, %convert_element_type3A_68, %cond3A_69 : i32
    scf.if %cond3A_70 {
      %get3A_71 = arith.constant 0 : index
      %get3A_72 = arith.constant 0 : index
      %get3A_73 = vector.load %arg8[%get3A_71, %get3A_72] : memref<1x1024xf32, #tpu.memory_space<vmem>>, vector<1x1024xf32>
      %lt3A = arith.constant 1.024000e+03 : f32
      %lt3A_74 = vector.broadcast %lt3A : f32 to vector<1x1024xf32>
      %lt3A_75 = arith.cmpf olt, %get3A_73, %lt3A_74 : vector<1x1024xf32>
      %get3A_76 = arith.constant 0 : index
      %get3A_77 = arith.constant 0 : index
      %get3A_78 = vector.load %arg7[%get3A_76, %get3A_77] : memref<1x1024xf32, #tpu.memory_space<vmem>>, vector<1x1024xf32>
      %jit3A_79 = arith.constant 0.000000e+00 : f32
      %broadcast_in_dim3A_80 = vector.broadcast %jit3A_79 : f32 to vector<1x1024xf32>
      %select_n3A_81 = arith.select %lt3A_75, %broadcast_in_dim3A_80, %get3A_78 : vector<1x1024xi1>, vector<1x1024xf32>
      %reduce_sum3A_82 = vector.shape_cast %select_n3A_81 : vector<1x1024xf32> to vector<1x1x1024xf32>
      %reduce_sum3A_83 = arith.constant dense<0.000000e+00> : vector<1xf32>
      %reduce_sum3A_84 = vector.multi_reduction <add>, %reduce_sum3A_82, %reduce_sum3A_83 [1, 2] : vector<1x1x1024xf32> to vector<1xf32>
      %reduce_sum3A_85 = vector.shape_cast %reduce_sum3A_84 : vector<1xf32> to vector<1x1x1xf32>
      %reduce_sum3A_86 = vector.extract %reduce_sum3A_85[0, 0, 0] : f32 from vector<1x1x1xf32>
      %get3A_87 = arith.constant 0 : index
      %get3A_88 = arith.constant 0 : index
      %get3A_89 = memref.load %arg10[%get3A_87, %get3A_88] : memref<1x1xf32, #tpu.memory_space<smem>>
      %div3A = arith.constant 5.242880e+05 : f32
      %div3A_90 = arith.divf %get3A_89, %div3A : f32
      %mul3A_91 = arith.constant 1.250000e+00 : f32
      %mul3A_92 = arith.mulf %mul3A_91, %div3A_90 : f32
      %mul3A_93 = arith.constant 1.000000e-01 : f32
      %mul3A_94 = arith.mulf %mul3A_93, %reduce_sum3A_86 : f32
      %div3A_95 = arith.constant 1.024000e+03 : f32
      %div3A_96 = arith.divf %mul3A_94, %div3A_95 : f32
      %add3A_97 = arith.addf %mul3A_92, %div3A_96 : f32
      %broadcast_in_dim3A_98 = vector.broadcast %add3A_97 : f32 to vector<1x1xf32>
      %swap3A_99 = arith.constant 0 : index
      %swap3A_100 = arith.constant 0 : index
      %swap3A_101 = vector.load %arg4[%swap3A_99, %swap3A_100] : memref<1x1xf32, #tpu.memory_space<vmem>>, vector<1x1xf32>
      tpu.vector_store %arg4[%swap3A_99, %swap3A_100], %broadcast_in_dim3A_98 {strides = array<i32>} : memref<1x1xf32, #tpu.memory_space<vmem>>, vector<1x1xf32>,
    } else {
    }
    return
  }
  func.func @transform_0(%arg0: i32) -> (i32, i32, i32, i32) {
    %c0_i32 = arith.constant 0 : i32
    %c0_i32_0 = arith.constant 0 : i32
    %c0_i32_1 = arith.constant 0 : i32
    %c0_i32_2 = arith.constant 0 : i32
    return %arg0, %c0_i32, %c0_i32_0, %c0_i32_1 : i32, i32, i32, i32
  }
  func.func @transform_1(%arg0: i32) -> (i32, i32) {
    %c0_i32 = arith.constant 0 : i32
    %c0_i32_0 = arith.constant 0 : i32
    %c0_i32_1 = arith.constant 0 : i32
    return %c0_i32, %c0_i32_0 : i32, i32
  }
  func.func @transform_2(%arg0: i32) -> (i32, i32) {
    %c0_i32 = arith.constant 0 : i32
    %c0_i32_0 = arith.constant 0 : i32
    return %arg0, %c0_i32 : i32, i32
  }
  func.func @transform_3(%arg0: i32) -> (i32, i32) {
    %c0_i32 = arith.constant 0 : i32
    %c0_i32_0 = arith.constant 0 : i32
    %c0_i32_1 = arith.constant 0 : i32
    return %c0_i32, %c0_i32_0 : i32, i32
  }
}

</mosaic_0001>

<sc_bundles>
// kernel: kernel.4.cloned.1.call-start
scs
__scs_entry_jumppad:
0x0: {  	(pc) =	sbr.rel $0x88, $3  }
0x1: {  	(tag) =	ssettag $0x0;
	lr =	simm.s32 $0x1  }
0x2: {  	[smem:$0x3F9F] =	sst lr;
	_ =	strace $0xD0000000  }
0x3: {  	_ = 	snop  }
0x4: {  	_ = 	snop  }
0x5: {  	_ = 	snop  }
0x6: {  	_ = 	snop  }
0x7: {  	_ = 	snop  }
__scs_overlays_trampoline_lowered:
0x8: {  	[smem:$0x3FAE] =	sst s0  }
0x9: {  	[smem:$0x3FAF] =	sst s1  }
0xa: {  	[smem:$0x3FB0] =	sst s2  }
0xb: {  	[smem:$0x3FB1] =	sst s3  }
0xc: {  	[smem:$0x3FB2] =	sst s4  }
0xd: {  	[smem:$0x3FB3] =	sst s5  }
0xe: {  	[smem:$0x3FB4] =	sst s6  }
0xf: {  	[smem:$0x3FB5] =	sst s7  }
0x10: {  	[smem:$0x3FB6] =	sst s8  }
0x11: {  	[smem:$0x3FB7] =	sst s9;
	s0 =	simm.s32 @!p0 $0x0  }
0x12: {  	s1 =	sld [smem:$0x3F9D];
	s0 =	simm.s32 @p0 $0x1  }
0x13: {  	[smem:$0x3FB8] =	sst s0;
	s0 =	simm.s32 @!p1 $0x0  }
0x14: {  	s2 =	sld [smem:$0x3F9C];
	s0 =	simm.s32 @p1 $0x1  }
0x15: {  	[smem:$0x3FB9] =	sst s0;
	s0 =	simm.s32 @!p2 $0x0  }
0x16: {  	s3 =	sld [smem:$0x3FDB];
	s0 =	simm.s32 @p2 $0x1  }
0x17: {  	s4 =	simm.s32 $0x1BF5;
	[smem:$0x3FBB] =	sst s0  }
0x18: {  	s0 =	sld [smem:$0x3F9E];
	_ =	swait.ge [sflag:s4], $0x0  }
0x19: {  	s7 =	sld [smem:$0x3F9F]  }
0x1a: {  	s8 =	sadd.s32 $0xFFFFE003, lr  }
0x1b: {  	s9 =	sadd.s32 $0xFFFFFEF7, lr;
	s5 =	simm.s32 $0xFFFFFFFF;
	p2 =	slt.u32 s8, $0xFFFFF086  }
0x1c: {  	p1 =	slt.u32 s9, $0xF7A;
	s5 =	simm.s32 @!p2 $0x0  }
0x1d: {  	s5 =	simm.s32 @p1 $0x1;
	p0 =	seq.s32 s7, s2  }
0x1e: {  	s7 =	smul.u32 @!p0 $0xF7A, s2;
	p2 =	seq.s32 @!p0 s5, $0x0  }
0x1f: {  	s9 =	smul.u32 $0xF7A, s1;
	s8 =	simm.s32 @!p0 $0x1BF5;
	p2 =	por !p2, p0  }
0x20: {  	[sflag:s8] =	ssyncset.s32 @!p0 $0xFFFFF086;
	s6 =	sadd.s32 @!p0 s3, s7;
	s7 =	simm.s32 @!p0 $0x108  }
0x21: {  	s3 =	sadd.s32 s3, s9;
	s6 =	sadd.s32 @!p0 $0x88, s6;
	s7 =	simm.s32 @p2 $0x1082  }
0x22: {  	[simem:s7], [sflag:s8] =	dma.local @!p0 [hbm:s6], $0xF7A  }
0x23: {  	s9 =	sor.u32 $0xD0000000, s2;
	s6 =	simm.s32 $0x108;
	_ =	swait.ge @!p0 [sflag:s8], $0x0  }
0x24: {  	s3 =	sadd.s32 $0x88, s3;
	s6 =	simm.s32 @!p1 $0x1082;
	[sflag:s4] =	ssyncset.s32 $0xFFFFF086  }
0x25: {  	[simem:s6], [sflag:s4] =	dma.local [hbm:s3], $0xF7A  }
0x26: {  	[smem:$0x3F9F] =	sst s1;
	(tag) =	ssettag s2;
	_ =	strace s9  }
0x27: {  	s1 =	sld [smem:$0x3FAF]  }
0x28: {  	s2 =	sld [smem:$0x3FB0]  }
0x29: {  	s4 =	sld [smem:$0x3FB2]  }
0x2a: {  	p0 =	seq.s32 s5, $0x0;
	s5 =	sld [smem:$0x3FB3]  }
0x2b: {  	s6 =	sld [smem:$0x3FB4]  }
0x2c: {  	s7 =	sld [smem:$0x3FB5]  }
0x2d: {  	s3 =	simm.s32 $0x108;
	s8 =	sld [smem:$0x3FB6]  }
0x2e: {  	s3 =	simm.s32 @!p0 $0x1082;
	s9 =	sld [smem:$0x3FB7]  }
0x2f: {  	lr =	sadd.s32 s0, s3;
	s0 =	sld [smem:$0x3FAE]  }
0x30: {  	s3 =	sld [smem:$0x3FB1]  }
0x31: {  	[smem:$0x3FBA] =	sst s10  }
0x32: {  	s10 =	sld [smem:$0x3FB8];
	_ =	sdelay $0x3  }
0x33: {  	p0 =	seq.s32 s10, $0x1;
	s10 =	sld [smem:$0x3FBA];
	_ =	sdelay $0x3  }
0x34: {  	[smem:$0x3FBA] =	sst s10  }
0x35: {  	s10 =	sld [smem:$0x3FB9];
	_ =	sdelay $0x3  }
0x36: {  	p1 =	seq.s32 s10, $0x1;
	s10 =	sld [smem:$0x3FBA];
	_ =	sdelay $0x3  }
0x37: {  	[smem:$0x3FBA] =	sst s10  }
0x38: {  	s10 =	sld [smem:$0x3FBB]  }
0x39: {  	_ = 	snop;
	(pc) =	sbr.ind lr, $3  }
0x3a: {  	_ = 	snop  }
0x3b: {  	_ = 	snop  }
0x3c: {  	p2 =	seq.s32 s10, $0x1;
	s10 =	sld [smem:$0x3FBA]  }
0x3d: {  	_ =	shalt  }
0x3e: {  	_ =	shalt  }
0x3f: {  	_ =	shalt  }
0x40: {  	_ =	shalt  }
0x41: {  	_ =	shalt  }
0x42: {  	_ =	shalt  }
0x43: {  	_ =	shalt  }
0x44: {  	_ =	shalt  }
0x45: {  	_ =	shalt  }
0x46: {  	_ =	shalt  }
0x47: {  	_ =	shalt  }
0x48: {  	_ =	shalt  }
0x49: {  	_ =	shalt  }
0x4a: {  	_ =	shalt  }
0x4b: {  	_ =	shalt  }
0x4c: {  	_ =	shalt  }
0x4d: {  	_ =	shalt  }
0x4e: {  	_ =	shalt  }
0x4f: {  	_ =	shalt  }
0x50: {  	_ =	shalt  }
0x51: {  	_ =	shalt  }
0x52: {  	_ =	shalt  }
0x53: {  	_ =	shalt  }
0x54: {  	_ =	shalt  }
0x55: {  	_ =	shalt  }
0x56: {  	_ =	shalt  }
0x57: {  	_ =	shalt  }
0x58: {  	_ =	shalt  }
0x59: {  	_ =	shalt  }
0x5a: {  	_ =	shalt  }
0x5b: {  	_ =	shalt  }
0x5c: {  	_ =	shalt  }
0x5d: {  	_ =	shalt  }
0x5e: {  	_ =	shalt  }
0x5f: {  	_ =	shalt  }
0x60: {  	_ =	shalt  }
0x61: {  	_ =	shalt  }
0x62: {  	_ =	shalt  }
0x63: {  	_ =	shalt  }
0x64: {  	_ =	shalt  }
0x65: {  	_ =	shalt  }
0x66: {  	_ =	shalt  }
0x67: {  	_ =	shalt  }
0x68: {  	_ =	shalt  }
0x69: {  	_ =	shalt  }
0x6a: {  	_ =	shalt  }
0x6b: {  	_ =	shalt  }
0x6c: {  	_ =	shalt  }
0x6d: {  	_ =	shalt  }
0x6e: {  	_ =	shalt  }
0x6f: {  	_ =	shalt  }
0x70: {  	_ =	shalt  }
0x71: {  	_ =	shalt  }
0x72: {  	_ =	shalt  }
0x73: {  	_ =	shalt  }
0x74: {  	_ =	shalt  }
0x75: {  	_ =	shalt  }
0x76: {  	_ =	shalt  }
0x77: {  	_ =	shalt  }
0x78: {  	_ =	shalt  }
0x79: {  	_ =	shalt  }
0x7a: {  	_ =	shalt  }
0x7b: {  	_ =	shalt  }
0x7c: {  	_ =	shalt  }
0x7d: {  	_ =	shalt  }
0x7e: {  	_ =	shalt  }
0x7f: {  	_ =	shalt  }
0x80: {  	_ =	shalt  }
0x81: {  	_ =	shalt  }
0x82: {  	_ =	shalt  }
0x83: {  	_ =	shalt  }
0x84: {  	_ =	shalt  }
0x85: {  	_ =	shalt  }
0x86: {  	_ =	shalt  }
0x87: {  	_ =	shalt  }
.Lfunc_end0:
.L_simem_size_0:
called_computation_lowered:
.L_overlay_start_0:
0x88: {  	s2 =	sld [smem:$0x3FD9]  }
0x89: {  	s3 =	sld [smem:$0x3FFE];
	_ =	sdelay $0x1  }
0x8a: {  	s1 =	srdreg.scid  }
0x8b: {  	s0 =	sand.u32 $0x1, s1  }
0x8c: {  	s14 =	sshll.u32 s0, $0xA;
	s2 =	sadd.s32 s3, s2  }
0x8d: {  	s2 =	sadd.s32 s2, s14  }
0x8e: {  	[smem:$0x3FC6] =	sst s2  }
0x8f: {  	_ = 	snop  }
0x90: {  	s2 =	sld [smem:$0x3FD0];
	_ =	sdelay $0x2  }
0x91: {  	s15 =	simm.s32 $0xA;
	s4 =	simm.s32 $0x10  }
0x92: {  	[smem:s4], [sflag:s15] =	dma.local [hbm:s2], $0x1  }
0x93: {  	_ =	swait.eq [sflag:s15], $0x1  }
0x94: {  	[sflag:s15] =	ssyncset.done $0x0  }
0x95: {  	[sflag:s15] =	ssyncadd.s32 $0xFFFFFFFF  }
0x96: {  	s16 =	sld [smem:$0x10];
	(tm) =	ssettm $0x1  }
0x97: {  	s17 =	sld [smem:$0x3FFB];
	_ =	sdelay $0x3  }
0x98: {  	_ =	strace s17  }
0x99: {  	s3 =	sld [smem:$0x3FFC];
	_ =	sdelay $0x3  }
0x9a: {  	_ =	strace s3  }
0x9b: {  	s3 =	sld [smem:$0x3FFD];
	_ =	sdelay $0x3  }
0x9c: {  	_ =	strace s3  }
0x9d: {  	_ =	strace $0x8FFFFFFF  }
0x9e: {  	s18 =	sld [smem:$0x3FDB];
	_ =	sdelay $0x1  }
0x9f: {  	s19 =	simm.s32 $_scs_section_size  }
0xa0: {  	s5 =	simm.s32 $_size__tile_overlayer_lowered;
	s6 =	simm.s32 $_tile_overlayer_lowered  }
0xa1: {  	s22 =	simm.s32 $0x1BFF;
	s21 =	sshll.u32 s6, $0x1;
	s3 =	sadd.s32 s19, s18  }
0xa2: {  	s7 =	simm.s32 $0x0;
	s20 =	sshll.u32 s5, $0x1;
	s5 =	sadd.s32 s21, s3  }
0xa3: {  	[timem:s7], [sflag:s22] =	dma.local [hbm:s5], s20  }
0xa4: {  	_ =	swait.ge [sflag:s22], s20  }
0xa5: {  	s4 =	ssub.s32 $0x0, s20;
	[sflag:s22] =	ssyncset.done $0x0  }
0xa6: {  	[sflag:s22] =	ssyncadd.s32 s4;
	_ =	sdelay $0x1  }
0xa7: {  	s23 =	simm.s32 $0x1B8B  }
0xa8: {  	_ =	swait.ge [sflag:s23], $0x1  }
0xa9: {  	[sflag:s23] =	ssyncset.done $0x0  }
0xaa: {  	s25 =	simm.s32 $0x1B8E;
	s24 =	sld [smem:$0x3FFE];
	[sflag:s23] =	ssyncadd.s32 $0xFFFFFFFF  }
0xab: {  	s26 =	simm.s32 $execute0_lowered;
	[smem:$0x3FD2] =	sst s25  }
0xac: {  	s5 =	sshll.u32 s26, $0x1;
	_ =	strace $0x80000046;
	[dreg:$0x1] =	wrdreg $0xFFFFFFFF  }
0xad: {  	s28 =	simm.s32 $_size_execute0_lowered;
	s3 =	sadd.s32 s3, s5;
	[dreg:$0x0] =	wrdreg $0x0  }
0xae: {  	s5 =	sshll.u32 s28, $0x1;
	[dreg:$0x2] =	wrdreg s3  }
0xaf: {  	[dreg:$0x3] =	wrdreg s5  }
0xb0: {  	[dreg:$0x4] =	wrdreg $0xC0  }
0xb1: {  	_ =	task [dreg:s7], $0x5FFFF  }
0xb2: {  	[dreg:$0x1] =	wrdreg $0xFFFFFFFF  }
0xb3: {  	[dreg:$0x0] =	wrdreg $0x60  }
0xb4: {  	[dreg:$0x2] =	wrdreg s24  }
0xb5: {  	[dreg:$0x3] =	wrdreg s16  }
0xb6: {  	[dreg:$0x4] =	wrdreg $0x9  }
0xb7: {  	_ =	task.clear_ibuf [dreg:s7], $0x5FFFF;
	_ =	strace $0x90000046  }
0xb8: {  	s29 =	simm.s32 $0x9;
	_ =	strace $0x80000048  }
0xb9: {  	_ =	swait.ge [sflag:s29], $0x1  }
0xba: {  	[sflag:s29] =	ssyncadd.s32 $0xFFFFFFFF  }
0xbb: {  	_ =	strace $0x90000048  }
0xbc: {  	_ =	sfence  }
0xbd: {  	s30 =	sld [smem:$0x0];
	_ =	sdelay $0x2  }
0xbe: {  	s31 =	sshll.u32 s1, $0xD;
	s1 =	sshrl.u32 s1, $0x2  }
0xbf: {  	s3 =	sand.u32 $0x4000, s31;
	s1 =	sadd.s32 s1, s30  }
0xc0: {  	s0 =	sor.u32 s3, s0;
	s1 =	sshll.u32 s1, $0x11  }
0xc1: {  	s0 =	sor.u32 s1, s0  }
0xc2: {  	s0 =	sadd.s32 $0x8F2B, s0  }
0xc3: {  	[sflag:s0] =	ssyncadd.remote.s32 $0x1  }
0xc4: {  	_ =	sfence.sel $0xFFFF  }
0xc5: {  	[dreg:$0x0] =	wrdreg $0xFFFFFFFF;
	(pc) =	sbr.abs _section_cstart, $3  }
0xc6: {  	[dreg:$0x1] =	wrdreg $0xFFFFFFFF  }
0xc7: {  	_ =	task.clear_ibuf [dreg:s7], $0x2FFFF;
	_ =	strace $0x9FFFFFFF  }
0xc8: {  	(tm) =	ssettm $0x7FFFFFFF  }
0xc9: {  	_ =	shalt  }
tec
execute0_lowered:
.L_overlay_start_1:
0x0: {  	(tag) =	ssettag $0x1  }
0x1: {  	s1 =	srdreg.scid;
	s0 =	stileid.u32  }
0x2: {  	s10 =	rddreg [dreg:$0x0];
	s11 =	sand.u32 $0x1, s1;
	s31 =	sshll.u32 s0, $0x1  }
0x3: {  	s2 =	rddreg [dreg:$0x1];
	s12 =	sor.u32 s11, s31  }
0x4: {  	s3 =	simm.s32 $0x0;
	s1 =	rddreg [dreg:$0x2];
	s4 =	sshll.u32 s12, $0x5  }
0x5: {  	[smem:$0x7FF] =	sst s3;
	s4 =	sadd.s32 s4, s10  }
0x6: {  	_ =	strace $0x80000047;
	s5 =	sadd.s32 $0xA00, s4;
	s4 =	simm.s32 $0x2  }
0x7: {  	[tilespmem:s3], [sflag:$0x2] =	stream.linear.gather [hbm4b:s5+s3], $0x100, $0x38;
	[tilespmem:$0x4100] =	vst v63  }
0x8: {  	_ =	swait.ge [sflag:s4], $0x100  }
0x9: {  	[sflag:s4] =	ssyncset.done $0x0  }
0xa: {  	s6 =	simm.s32 $0x80;
	s7 =	simm.s32 $0x100;
	[sflag:s4] =	ssyncadd.s32 $0xFFFFFF00  }
0xb: {  	[tilespmem:s7], [sflag:$0x1] =	stream.indirect.gather [hbm4b:s2+s6], $0x40, s3, s6, $0xb8;
	[tilespmem:$0x4100] =	vst v63  }
0xc: {  	s8 =	simm.s32 $0x2100;
	s9 =	simm.s32 $0x1;
	s11 =	ssub.s32 $0x2, s11  }
0xd: {  	[tilespmem:s8], [sflag:$0x1] =	stream.indirect.gather [hbm4b:s2+s6], $0x40, s6, s6, $0xb8;
	[tilespmem:$0x4100] =	vst v63  }
0xe: {  	s13 =	sshrl.u32 s11, $0x1;
	_ =	swait.ge [sflag:s9], $0x2000  }
0xf: {  	s11 =	ssub.s32 s11, s13;
	[sflag:s9] =	ssyncset.done $0x0  }
0x10: {  	s11 =	smax.u32 s11, $0x1;
	[sflag:s9] =	ssyncadd.s32 $0xFFFFE000  }
0x11: {  	s12 =	sshll.u32 s12, $0xB;
	p0 =	sne.s32 s11, $0x1;
	_ =	swait.ge [sflag:s9], $0x2000  }
.Ltmp0:
0x12: {  	s10 =	sadd.s32 s12, s10;
	[sflag:s9] =	ssyncset.done $0x0;
	(pc) =	sbr.rel @!p0 .LBB2_2-.Ltmp0, $4  }
0x13: {  	s10 =	sadd.s32 $0xE00, s10;
	[sflag:s9] =	ssyncadd.s32 $0xFFFFE000  }
0x14: {  	[hbm4b:s10+s3] =	stream.linear.scatter [tilespmem:s7], [sflag:$0x2], $0x4000, $0x38;
	[tilespmem:$0x4100] =	vst v63  }
0x15: {  	_ =	swait.ge [sflag:s4], $0x4000  }
0x16: {  	s11 =	sadd.s32 $0xFFFFFFFF, s11;
	[sflag:s4] =	ssyncset.done $0x0  }
.LBB2_1:
0x17: {  	p0 =	sne.s32 s11, $0x1;
	s11 =	sadd.s32 $0xFFFFFFFF, s11;
	[sflag:s4] =	ssyncadd.s32 $0xFFFFC000  }
0x18: {  	[tilespmem:s3], [sflag:$0x2] =	stream.linear.gather [hbm4b:s5+s3], $0x100, $0x38;
	[tilespmem:$0x4100] =	vst v63  }
0x19: {  	_ =	swait.ge [sflag:s4], $0x100  }
0x1a: {  	[sflag:s4] =	ssyncset.done $0x0  }
0x1b: {  	[sflag:s4] =	ssyncadd.s32 $0xFFFFFF00  }
0x1c: {  	[tilespmem:s7], [sflag:$0x1] =	stream.indirect.gather [hbm4b:s2+s6], $0x40, s3, s6, $0xb8;
	[tilespmem:$0x4100] =	vst v63  }
0x1d: {  	_ = 	snop  }
0x1e: {  	[tilespmem:s8], [sflag:$0x1] =	stream.indirect.gather [hbm4b:s2+s6], $0x40, s6, s6, $0xb8;
	[tilespmem:$0x4100] =	vst v63  }
0x1f: {  	_ =	swait.ge [sflag:s9], $0x2000  }
0x20: {  	[sflag:s9] =	ssyncset.done $0x0  }
0x21: {  	[sflag:s9] =	ssyncadd.s32 $0xFFFFE000  }
0x22: {  	_ =	swait.ge [sflag:s9], $0x2000  }
.Ltmp1:
0x23: {  	[sflag:s9] =	ssyncset.done $0x0;
	(pc) =	sbr.rel @p0 .LBB2_1-.Ltmp1, $4  }
0x24: {  	[sflag:s9] =	ssyncadd.s32 $0xFFFFE000  }
0x25: {  	[hbm4b:s10+s3] =	stream.linear.scatter [tilespmem:s7], [sflag:$0x2], $0x4000, $0x38;
	[tilespmem:$0x4100] =	vst v63  }
0x26: {  	_ =	swait.ge [sflag:s4], $0x4000  }
0x27: {  	[sflag:s4] =	ssyncset.done $0x0  }
.LBB2_2:
0x28: {  	[sflag:s4] =	ssyncadd.s32 $0xFFFFC000  }
0x29: {  	_ =	sfence.sel $0x180000  }
0x2a: {  	[bflag:$0x0] =	sbarrier.arrive $0xFFFF  }
0x2b: {  	p0 =	sne.s32 s0, $0x0;
	_ =	strace $0x90000047  }
0x2c: {  	s0 =	sadd.s32 @!p0 $0x100000, s1;
	[bflag:$0x2] =	sbarrier.arrive $0xFFFF  }
0x2d: {  	[sflag:s0] =	ssyncadd.tile.s32 @!p0 $0x1;
	_ =	shalt  }
.Lfunc_end2:
_tile_overlayer_lowered:
.L_overlay_start_2:
0x2e: {  	(tag) =	ssettag $0x2  }
0x2f: {  	s0 =	rddreg [dreg:$0x0];
	s2 =	stileid.u32  }
0x30: {  	s1 =	rddreg [dreg:$0x1];
	p0 =	sne.s32 s2, $0x0  }
0x31: {  	s3 =	rddreg [dreg:$0x2];
	[bflag:$0x3] =	sbarrier.arrive $0xFFFF;
	s2 =	simm.s32 @!p0 $0x1C02  }
0x32: {  	[timem:s3], [sflag:s2] =	dma.local @!p0 [hbm:s0], s1  }
0x33: {  	s0 =	simm.s32 @!p0 $0x2  }
0x34: {  	_ =	swait.ge @!p0 [sflag:s0], s1  }
0x35: {  	s1 =	ssub.s32 @!p0 $0x0, s1;
	[sflag:s0] =	ssyncset.done @!p0 $0x0  }
0x36: {  	[sflag:s0] =	ssyncadd.s32 @!p0 s1  }
0x37: {  	[bflag:$0x3] =	sbarrier.arrive $0xFFFF  }
0x38: {  	_ =	shalt  }

</sc_bundles>
